<compile_context>
chip_gen: v7x
topology: tpu7x:2x2x1
jax: 0.10.2.dev20260603
libtpu: 0.0.44.dev20260713+nightly
codegen_flags: <defaults>
</compile_context>

<pallas_src>
import functools

import jax
import jax.numpy as jnp
from jax import lax
from jax.experimental import pallas as pl
from jax.experimental.pallas import tpu as pltpu
from jax.experimental.pallas import tpu_sc as plsc

_NC = 2
_NS = 16
_NW = _NC * _NS
_L = 16
_BB = 256


@functools.lru_cache(maxsize=None)
def _make_sc_analyze(N, V):
    bpw = N // _NW
    mesh = plsc.VectorSubcoreMesh(core_axis_name="c", subcore_axis_name="s")

    @functools.partial(
        pl.kernel,
        mesh=mesh,
        out_type=jax.ShapeDtypeStruct((_NW * _L,), jnp.int32),
        scratch_types=[
            pltpu.VMEM((bpw,), jnp.int32),
            pltpu.VMEM((_NW * _L,), jnp.int32),
        ],
        compiler_params=pltpu.CompilerParams(needs_layout_passes=False),
    )
    def body(x_hbm, flags_hbm, idx_v, flag_v):
        cid = lax.axis_index("c")
        sid = lax.axis_index("s")
        wid = sid * _NC + cid
        base = pl.multiple_of(wid * bpw, 8)

        pltpu.sync_copy(x_hbm.at[pl.ds(base, bpw)], idx_v)

        def reduce(j, carry):
            mn, mx = carry
            v = idx_v[pl.ds(j * _L, _L)]
            return (jnp.minimum(mn, jnp.min(v)), jnp.maximum(mx, jnp.max(v)))

        mn, mx = lax.fori_loop(
            0, bpw // _L, reduce,
            (jnp.int32(2 ** 31 - 1), jnp.int32(-(2 ** 31))))

        umn = jnp.minimum(mn, jnp.int32(0))
        umx = jnp.minimum(mx, jnp.int32(0))
        flag = jnp.where(umn == umx, jnp.int32(1), jnp.int32(0))

        lane = lax.broadcasted_iota(jnp.int32, (_L,), 0)
        fbase = pl.multiple_of(wid * _L, 8)
        flag_v[pl.ds(fbase, _L)] = jnp.where(lane < 8, flag, umn)
        pltpu.sync_copy(flag_v.at[pl.ds(fbase, _L)],
                        flags_hbm.at[pl.ds(fbase, _L)])

    return body


@functools.lru_cache(maxsize=None)
def _make_tc_materialize(B, F, V, D):
    grid = B // _BB
    dims = (((0,), (0,)), ((), ()))

    def body(flags_s, table_ref, xt_ref, out_ref, col_v, cache_s):
        i = pl.program_id(0)
        viota = lax.broadcasted_iota(jnp.int32, (V, _BB), 0)

        @pl.when(i == 0)
        def _init():
            cache_s[0] = jnp.int32(0)

            u0 = flags_s[8]

            def red(w, gf):
                fw = flags_s[w * _L]
                uw = flags_s[w * _L + 8]
                return gf & jnp.where((fw == 1) & (uw == u0), 1, 0)

            cache_s[2] = lax.fori_loop(0, _NW, red, jnp.int32(1))
            cache_s[3] = u0

        flag = cache_s[2]
        u = cache_s[3]

        @pl.when(flag == 1)
        def _broadcast():
            stale = jnp.logical_or(cache_s[0] != 1, cache_s[1] != u)

            @pl.when(stale)
            def _compute():
                oh = (viota == u).astype(jnp.float32)
                col_v[...] = lax.dot_general(
                    table_ref[...], oh, dims,
                    precision=lax.Precision.HIGHEST,
                    preferred_element_type=jnp.float32)
                cache_s[0] = jnp.int32(1)
                cache_s[1] = u

            out_ref[...] = jnp.broadcast_to(col_v[...][None], (F, D, _BB))

        @pl.when(flag != 1)
        def _general():
            def per_field(f, c):
                eff = jnp.minimum(xt_ref[pl.ds(f, 1), :], 0)
                oh = (viota == eff).astype(jnp.float32)
                out_ref[pl.ds(f, 1)] = lax.dot_general(
                    table_ref[...], oh, dims,
                    precision=lax.Precision.HIGHEST,
                    preferred_element_type=jnp.float32)[None]
                return c

            lax.fori_loop(0, F, per_field, 0)

    grid_spec = pltpu.PrefetchScalarGridSpec(
        num_scalar_prefetch=1,
        grid=(grid,),
        in_specs=[
            pl.BlockSpec((V, D), lambda i, s: (0, 0)),
            pl.BlockSpec((F, _BB), lambda i, s: (0, i)),
        ],
        out_specs=pl.BlockSpec((F, D, _BB), lambda i, s: (0, 0, i)),
        scratch_shapes=[
            pltpu.VMEM((D, _BB), jnp.float32),
            pltpu.SMEM((4,), jnp.int32),
        ],
    )
    return pl.pallas_call(
        body,
        grid_spec=grid_spec,
        out_shape=jax.ShapeDtypeStruct((F, D, B), jnp.float32),
        compiler_params=pltpu.CompilerParams(
            dimension_semantics=("arbitrary",)),
    )


def kernel(x, table):
    B, F = x.shape
    V, D = table.shape
    xt = x.T
    xtf = xt.reshape(B * F)
    flags = _make_sc_analyze(B * F, V)(xtf)
    out_fdb = _make_tc_materialize(B, F, V, D)(flags, table, xt)
    return out_fdb.transpose(2, 0, 1)

# --- scband reference (transcript-rebuilt; emitter-appended) ---
"""Pipeline reference for scband-category-embedding-86303072846272 (READ-ONLY COPY).

The authoritative reference and input builder live on the scoring server;
editing this copy changes nothing except your own understanding.
"""

import jax, jax.numpy as jnp
import numpy as np

NUM_EMBEDDINGS = 1000
EMBEDDING_DIM = NUM_EMBEDDINGS // 2  # 500, forced by module
BATCH = 4096
FIELDS = 26


def setup_inputs(seed: int = 0) -> dict:
    key = jax.random.key(seed)
    k1, k2 = jax.random.split(key)
    x = jax.random.randint(k1, (BATCH, FIELDS), 0, NUM_EMBEDDINGS, dtype=jnp.int64) if jax.config.jax_enable_x64 else jax.random.randint(k1, (BATCH, FIELDS), 0, NUM_EMBEDDINGS, dtype=jnp.int32)
    # kaiming_normal_(mode='fan_out', nonlinearity='relu') on weight [num, dim]:
    # fan_out = size(0) = NUM_EMBEDDINGS, gain = sqrt(2) -> std = sqrt(2 / NUM_EMBEDDINGS)
    std = float(np.sqrt(2.0 / NUM_EMBEDDINGS))
    table = jax.random.normal(k2, (NUM_EMBEDDINGS, EMBEDDING_DIM), dtype=jnp.float32) * std
    return {"x": x, "table": table}


def reference(x, table):
    num_embeddings = table.shape[0]
    # Faithful translation of the original forward, including its where() logic:
    # x = where(x < num_embeddings, x, num_embeddings - 1)
    x = jnp.where(x < num_embeddings, x, num_embeddings - 1)
    # x = where(x < 0, x, 0)  -- as written in the torch source (keeps x where x<0, else 0)
    x = jnp.where(x < 0, x, 0)
    # Embedding lookup (gather). Dropout is identity in eval/inference mode.
    out = jnp.take(table, x, axis=0)
    return out

if __name__ == "__main__":
    import jax
    _d = setup_inputs()
    print(jax.jit(kernel)(*tuple(_d.values())))

</pallas_src>

<mosaic_0001>
#map = affine_map<(d0, d1) -> (0)>
module attributes {stable_mosaic.version = 14 : i64} {
  func.func @body(%arg0: i32, %arg1: i32, %arg2: memref<106496xi32, #tpu.memory_space<hbm>>, %arg3: memref<512xi32, #tpu.memory_space<hbm>>, %arg4: memref<3328xi32, #tpu.memory_space<vmem>>, %arg5: memref<512xi32, #tpu.memory_space<vmem>>) attributes {dimension_semantics = [#tpu.dimension_semantics<core_parallel>, #tpu.dimension_semantics<subcore_parallel>], iteration_bounds = array<i64: 2, 16>, scalar_prefetch = 0 : i64, scratch_operands = 2 : i64, tpu.core_type = #tpu.core_type<sc_vector_subcore>, window_params = [{transform_indices = #map}, {transform_indices = #map}]} {
    %mul3A = arith.constant 2 : i32
    %mul3A_0 = arith.muli %arg1, %mul3A : i32
    %add3A = arith.addi %mul3A_0, %arg0 : i32
    %mul3A_1 = arith.constant 3328 : i32
    %mul3A_2 = arith.muli %add3A, %mul3A_1 : i32
    %multiple_of3A = tpu.assume_multiple %mul3A_2, 8 : i32
    "tpu.region"() ({
      %run_scoped3A = tpu.sem_alloc : memref<!tpu.dma_semaphore, #tpu.memory_space<semaphore_mem>>
      %dma_start3A = tpu.memref_slice %arg2[%multiple_of3A] : memref<106496xi32, #tpu.memory_space<hbm>> -> memref<3328xi32, #tpu.memory_space<hbm>>
      %dma_start3A_22 = tpu.memref_slice %arg2[%multiple_of3A] : memref<106496xi32, #tpu.memory_space<hbm>> -> memref<3328xi32, #tpu.memory_space<hbm>>
      tpu.enqueue_dma source(%dma_start3A_22 : memref<3328xi32, #tpu.memory_space<hbm>>) target(%arg4 : memref<3328xi32, #tpu.memory_space<vmem>>) target_semaphore(%run_scoped3A : memref<!tpu.dma_semaphore, #tpu.memory_space<semaphore_mem>>)
      %dma_wait3A = tpu.memref_slice %arg2[%multiple_of3A] : memref<106496xi32, #tpu.memory_space<hbm>> -> memref<3328xi32, #tpu.memory_space<hbm>>
      %dma_wait3A_23 = tpu.memref_slice %arg2[%multiple_of3A] : memref<106496xi32, #tpu.memory_space<hbm>> -> memref<3328xi32, #tpu.memory_space<hbm>>
      tpu.wait_dma2 semaphore(%run_scoped3A : memref<!tpu.dma_semaphore, #tpu.memory_space<semaphore_mem>>) src(%dma_wait3A_23 : memref<3328xi32, #tpu.memory_space<hbm>>) dst(%arg4 : memref<3328xi32, #tpu.memory_space<vmem>>)
      tpu.yield
    }) : () -> ()
    %scan3A = arith.constant 2147483647 : i32
    %scan3A_3 = arith.constant -2147483648 : i32
    %scan3A_4 = arith.constant 0 : i32
    %scan3A_5 = arith.constant 208 : i32
    %scan3A_6 = arith.addi %scan3A_4, %scan3A_5 : i32
    %scan3A_7 = arith.constant 1 : i32
    %scan3A_8:2 = scf.for %scan3A_22 = %scan3A_4 to %scan3A_6 step %scan3A_7 iter_args(%scan3A_23 = %scan3A, %scan3A_24 = %scan3A_3) -> (i32, i32)  : i32 {
      %mul3A_25 = arith.constant 16 : i32
      %mul3A_26 = arith.muli %scan3A_22, %mul3A_25 : i32
      %get3A = arith.index_cast %mul3A_26 : i32 to index
      %get3A_27 = tpu.vector_load %arg4[%get3A] {strides = array<i32>} : memref<3328xi32, #tpu.memory_space<vmem>>, vector<16xi32>,
      %reduce_min3A = arith.constant true
      %reduce_min3A_28 = vector.broadcast %reduce_min3A : i1 to vector<16xi1>
      %reduce_min3A_29 = arith.constant -2147483648 : i32
      %reduce_min3A_30 = vector.broadcast %reduce_min3A_29 : i32 to vector<16xi32>
      %reduce_min3A_31 = arith.xori %get3A_27, %reduce_min3A_30 : vector<16xi32>
      %reduce_min3A_32 = tpu.scan <min>, %reduce_min3A_31 masked %reduce_min3A_28 : vector<16xi32>, vector<16xi1> -> vector<16xi32>
      %reduce_min3A_33 = arith.xori %reduce_min3A_32, %reduce_min3A_30 : vector<16xi32>
      %reduce_min3A_34 = vector.extract %reduce_min3A_33[15] : i32 from vector<16xi32>
      %min3A_35 = arith.minsi %scan3A_23, %reduce_min3A_34 : i32
      %reduce_max3A = arith.constant true
      %reduce_max3A_36 = vector.broadcast %reduce_max3A : i1 to vector<16xi1>
      %reduce_max3A_37 = arith.constant -2147483648 : i32
      %reduce_max3A_38 = vector.broadcast %reduce_max3A_37 : i32 to vector<16xi32>
      %reduce_max3A_39 = arith.xori %get3A_27, %reduce_max3A_38 : vector<16xi32>
      %reduce_max3A_40 = tpu.scan <max>, %reduce_max3A_39 masked %reduce_max3A_36 : vector<16xi32>, vector<16xi1> -> vector<16xi32>
      %reduce_max3A_41 = arith.xori %reduce_max3A_40, %reduce_max3A_38 : vector<16xi32>
      %reduce_max3A_42 = vector.extract %reduce_max3A_41[15] : i32 from vector<16xi32>
      %max3A = arith.maxsi %scan3A_24, %reduce_max3A_42 : i32
      scf.yield %min3A_35, %max3A : i32, i32
    }
    %scan3A_9 = arith.constant 208 : i32
    %min3A = arith.constant 0 : i32
    %min3A_10 = arith.minsi %scan3A_8#0, %min3A : i32
    %min3A_11 = arith.constant 0 : i32
    %min3A_12 = arith.minsi %scan3A_8#1, %min3A_11 : i32
    %eq3A = arith.cmpi eq, %min3A_10, %min3A_12 : i32
    %jit3A = arith.constant 1 : i32
    %jit3A_13 = arith.constant 0 : i32
    %select_n3A = arith.select %eq3A, %jit3A, %jit3A_13 : i32
    %iota3A = tpu.iota {dimensions = array<i32: 0>} : vector<16xi32>
    %mul3A_14 = arith.constant 16 : i32
    %mul3A_15 = arith.muli %add3A, %mul3A_14 : i32
    %multiple_of3A_16 = tpu.assume_multiple %mul3A_15, 8 : i32
    %lt3A = arith.constant 8 : i32
    %lt3A_17 = vector.broadcast %lt3A : i32 to vector<16xi32>
    %lt3A_18 = arith.cmpi slt, %iota3A, %lt3A_17 : vector<16xi32>
    %broadcast_in_dim3A = vector.broadcast %select_n3A : i32 to vector<16xi32>
    %broadcast_in_dim3A_19 = vector.broadcast %min3A_10 : i32 to vector<16xi32>
    %select_n3A_20 = arith.select %lt3A_18, %broadcast_in_dim3A, %broadcast_in_dim3A_19 : vector<16xi1>, vector<16xi32>
    %swap3A = arith.index_cast %multiple_of3A_16 : i32 to index
    %swap3A_21 = tpu.vector_load %arg5[%swap3A] {strides = array<i32>} : memref<512xi32, #tpu.memory_space<vmem>>, vector<16xi32>,
    tpu.vector_store %arg5[%swap3A], %select_n3A_20 {strides = array<i32>} : memref<512xi32, #tpu.memory_space<vmem>>, vector<16xi32>,
    "tpu.region"() ({
      %run_scoped3A = tpu.sem_alloc : memref<!tpu.dma_semaphore, #tpu.memory_space<semaphore_mem>>
      %dma_start3A = tpu.memref_slice %arg5[%multiple_of3A_16] : memref<512xi32, #tpu.memory_space<vmem>> -> memref<16xi32, #tpu.memory_space<vmem>>
      %dma_start3A_22 = tpu.memref_slice %arg3[%multiple_of3A_16] : memref<512xi32, #tpu.memory_space<hbm>> -> memref<16xi32, #tpu.memory_space<hbm>>
      %dma_start3A_23 = tpu.memref_slice %arg3[%multiple_of3A_16] : memref<512xi32, #tpu.memory_space<hbm>> -> memref<16xi32, #tpu.memory_space<hbm>>
      %dma_start3A_24 = tpu.memref_slice %arg5[%multiple_of3A_16] : memref<512xi32, #tpu.memory_space<vmem>> -> memref<16xi32, #tpu.memory_space<vmem>>
      tpu.enqueue_dma source(%dma_start3A_24 : memref<16xi32, #tpu.memory_space<vmem>>) target(%dma_start3A_23 : memref<16xi32, #tpu.memory_space<hbm>>) target_semaphore(%run_scoped3A : memref<!tpu.dma_semaphore, #tpu.memory_space<semaphore_mem>>)
      %dma_wait3A = tpu.memref_slice %arg5[%multiple_of3A_16] : memref<512xi32, #tpu.memory_space<vmem>> -> memref<16xi32, #tpu.memory_space<vmem>>
      %dma_wait3A_25 = tpu.memref_slice %arg3[%multiple_of3A_16] : memref<512xi32, #tpu.memory_space<hbm>> -> memref<16xi32, #tpu.memory_space<hbm>>
      %dma_wait3A_26 = tpu.memref_slice %arg3[%multiple_of3A_16] : memref<512xi32, #tpu.memory_space<hbm>> -> memref<16xi32, #tpu.memory_space<hbm>>
      %dma_wait3A_27 = tpu.memref_slice %arg5[%multiple_of3A_16] : memref<512xi32, #tpu.memory_space<vmem>> -> memref<16xi32, #tpu.memory_space<vmem>>
      tpu.wait_dma2 semaphore(%run_scoped3A : memref<!tpu.dma_semaphore, #tpu.memory_space<semaphore_mem>>) src(%dma_wait3A_27 : memref<16xi32, #tpu.memory_space<vmem>>) dst(%dma_wait3A_26 : memref<16xi32, #tpu.memory_space<hbm>>)
      tpu.yield
    }) : () -> ()
    return
  }
}

module attributes {stable_mosaic.version = 14 : i64} {
  func.func @body(%arg0: i32, %arg1: memref<512xi32, #tpu.memory_space<smem>>, %arg2: memref<1000x500xf32, #tpu.memory_space<vmem>>, %arg3: memref<26x256xi32, #tpu.memory_space<vmem>>, %arg4: memref<26x500x256xf32, #tpu.memory_space<vmem>>, %arg5: memref<500x256xf32, #tpu.memory_space<vmem>>, %arg6: memref<4xi32, #tpu.memory_space<smem>>) attributes {dimension_semantics = [#tpu.dimension_semantics<arbitrary>], iteration_bounds = array<i64: 16>, scalar_prefetch = 1 : i64, scratch_operands = 2 : i64, tpu.core_type = #tpu.core_type<tc>, window_params = [{pipeline_mode = #tpu.pipeline_mode<synchronous>, transform_indices = @transform_0, window_bounds = array<i64: 1000, 500>}, {transform_indices = @transform_1, window_bounds = array<i64: 26, 256>}, {transform_indices = @transform_2, window_bounds = array<i64: 26, 500, 256>}]} {
    %iota3A = tpu.iota {dimensions = array<i32: 0>} : vector<1000x256xi32>
    %eq3A = arith.constant 0 : i32
    %eq3A_0 = arith.cmpi eq, %arg0, %eq3A : i32
    %convert_element_type3A = arith.extui %eq3A_0 : i1 to i32
    %cond3A = arith.constant 0 : i32
    %cond3A_1 = arith.cmpi ne, %convert_element_type3A, %cond3A : i32
    scf.if %cond3A_1 {
      %swap3A = arith.constant 0 : i32
      %swap3A_14 = arith.constant 0 : index
      %swap3A_15 = memref.load %arg6[%swap3A_14] : memref<4xi32, #tpu.memory_space<smem>>
      memref.store %swap3A, %arg6[%swap3A_14] : memref<4xi32, #tpu.memory_space<smem>>
      %get3A_16 = arith.constant 8 : index
      %get3A_17 = memref.load %arg1[%get3A_16] : memref<512xi32, #tpu.memory_space<smem>>
      %scan3A = arith.constant 1 : i32
      %scan3A_18 = arith.constant 0 : i32
      %scan3A_19 = arith.constant 32 : i32
      %scan3A_20 = arith.addi %scan3A_18, %scan3A_19 : i32
      %scan3A_21 = arith.constant 1 : i32
      %scan3A_22 = scf.for %scan3A_28 = %scan3A_18 to %scan3A_20 step %scan3A_21 iter_args(%scan3A_29 = %scan3A) -> (i32)  : i32 {
        %mul3A = arith.constant 16 : i32
        %mul3A_30 = arith.muli %scan3A_28, %mul3A : i32
        %get3A_31 = arith.index_cast %mul3A_30 : i32 to index
        %get3A_32 = memref.load %arg1[%get3A_31] : memref<512xi32, #tpu.memory_space<smem>>
        %mul3A_33 = arith.constant 16 : i32
        %mul3A_34 = arith.muli %scan3A_28, %mul3A_33 : i32
        %add3A = arith.constant 8 : i32
        %add3A_35 = arith.addi %mul3A_34, %add3A : i32
        %get3A_36 = arith.index_cast %add3A_35 : i32 to index
        %get3A_37 = memref.load %arg1[%get3A_36] : memref<512xi32, #tpu.memory_space<smem>>
        %eq3A_38 = arith.constant 1 : i32
        %eq3A_39 = arith.cmpi eq, %get3A_32, %eq3A_38 : i32
        %eq3A_40 = arith.cmpi eq, %get3A_37, %get3A_17 : i32
        %and3A = arith.andi %eq3A_39, %eq3A_40 : i1
        %jit3A = arith.constant 1 : i32
        %jit3A_41 = arith.constant 0 : i32
        %select_n3A = arith.select %and3A, %jit3A, %jit3A_41 : i32
        %and3A_42 = arith.andi %scan3A_29, %select_n3A : i32
        scf.yield %and3A_42 : i32
      }
      %scan3A_23 = arith.constant 32 : i32
      %swap3A_24 = arith.constant 2 : index
      %swap3A_25 = memref.load %arg6[%swap3A_24] : memref<4xi32, #tpu.memory_space<smem>>
      memref.store %scan3A_22, %arg6[%swap3A_24] : memref<4xi32, #tpu.memory_space<smem>>
      %swap3A_26 = arith.constant 3 : index
      %swap3A_27 = memref.load %arg6[%swap3A_26] : memref<4xi32, #tpu.memory_space<smem>>
      memref.store %get3A_17, %arg6[%swap3A_26] : memref<4xi32, #tpu.memory_space<smem>>
    } else {
    }
    %get3A = arith.constant 2 : index
    %get3A_2 = memref.load %arg6[%get3A] : memref<4xi32, #tpu.memory_space<smem>>
    %get3A_3 = arith.constant 3 : index
    %get3A_4 = memref.load %arg6[%get3A_3] : memref<4xi32, #tpu.memory_space<smem>>
    %eq3A_5 = arith.constant 1 : i32
    %eq3A_6 = arith.cmpi eq, %get3A_2, %eq3A_5 : i32
    %convert_element_type3A_7 = arith.extui %eq3A_6 : i1 to i32
    %cond3A_8 = arith.constant 0 : i32
    %cond3A_9 = arith.cmpi ne, %convert_element_type3A_7, %cond3A_8 : i32
    scf.if %cond3A_9 {
      %get3A_14 = arith.constant 0 : index
      %get3A_15 = memref.load %arg6[%get3A_14] : memref<4xi32, #tpu.memory_space<smem>>
      %ne3A_16 = arith.constant 1 : i32
      %ne3A_17 = arith.cmpi ne, %get3A_15, %ne3A_16 : i32
      %get3A_18 = arith.constant 1 : index
      %get3A_19 = memref.load %arg6[%get3A_18] : memref<4xi32, #tpu.memory_space<smem>>
      %ne3A_20 = arith.cmpi ne, %get3A_19, %get3A_4 : i32
      %or3A = arith.ori %ne3A_17, %ne3A_20 : i1
      %convert_element_type3A_21 = arith.extui %or3A : i1 to i32
      %cond3A_22 = arith.constant 0 : i32
      %cond3A_23 = arith.cmpi ne, %convert_element_type3A_21, %cond3A_22 : i32
      scf.if %cond3A_23 {
        %eq3A_32 = vector.broadcast %get3A_4 : i32 to vector<1000x256xi32>
        %eq3A_33 = arith.cmpi eq, %iota3A, %eq3A_32 : vector<1000x256xi32>
        %convert_element_type3A_34 = arith.extui %eq3A_33 : vector<1000x256xi1> to vector<1000x256xi32>
        %convert_element_type3A_35 = arith.sitofp %convert_element_type3A_34 : vector<1000x256xi32> to vector<1000x256xf32>
        %get3A_36 = arith.constant 0 : index
        %get3A_37 = arith.constant 0 : index
        %get3A_38 = vector.load %arg2[%get3A_36, %get3A_37] : memref<1000x500xf32, #tpu.memory_space<vmem>>, vector<1000x500xf32>
        %dot_general3A = arith.constant dense<0.000000e+00> : vector<500x256xf32>
        %dot_general3A_39 = tpu.matmul %get3A_38, %convert_element_type3A_35, %dot_general3A {dimension_numbers = #tpu.dot_dimension_numbers<[0], [0], [1], [1], [0, 1, 1, 1], [], []>, precision = #tpu.contract_precision<fp32>, transpose_lhs_hint = false} : vector<1000x500xf32>, vector<1000x256xf32>, vector<500x256xf32> -> vector<500x256xf32>
        %swap3A_40 = arith.constant 0 : index
        %swap3A_41 = arith.constant 0 : index
        %swap3A_42 = vector.load %arg5[%swap3A_40, %swap3A_41] : memref<500x256xf32, #tpu.memory_space<vmem>>, vector<500x256xf32>
        tpu.vector_store %arg5[%swap3A_40, %swap3A_41], %dot_general3A_39 {strides = array<i32>} : memref<500x256xf32, #tpu.memory_space<vmem>>, vector<500x256xf32>,
        %swap3A_43 = arith.constant 1 : i32
        %swap3A_44 = arith.constant 0 : index
        %swap3A_45 = memref.load %arg6[%swap3A_44] : memref<4xi32, #tpu.memory_space<smem>>
        memref.store %swap3A_43, %arg6[%swap3A_44] : memref<4xi32, #tpu.memory_space<smem>>
        %swap3A_46 = arith.constant 1 : index
        %swap3A_47 = memref.load %arg6[%swap3A_46] : memref<4xi32, #tpu.memory_space<smem>>
        memref.store %get3A_4, %arg6[%swap3A_46] : memref<4xi32, #tpu.memory_space<smem>>
      } else {
      }
      %get3A_24 = arith.constant 0 : index
      %get3A_25 = arith.constant 0 : index
      %get3A_26 = vector.load %arg5[%get3A_24, %get3A_25] : memref<500x256xf32, #tpu.memory_space<vmem>>, vector<500x256xf32>
      %broadcast_in_dim3A = vector.shape_cast %get3A_26 : vector<500x256xf32> to vector<1x500x256xf32>
      %broadcast_in_dim3A_27 = vector.shape_cast %broadcast_in_dim3A : vector<1x500x256xf32> to vector<1x500x256xf32>
      %broadcast_in_dim3A_28 = vector.broadcast %broadcast_in_dim3A_27 : vector<1x500x256xf32> to vector<26x500x256xf32>
      %swap3A = arith.constant 0 : index
      %swap3A_29 = arith.constant 0 : index
      %swap3A_30 = arith.constant 0 : index
      %swap3A_31 = vector.load %arg4[%swap3A, %swap3A_29, %swap3A_30] : memref<26x500x256xf32, #tpu.memory_space<vmem>>, vector<26x500x256xf32>
      tpu.vector_store %arg4[%swap3A, %swap3A_29, %swap3A_30], %broadcast_in_dim3A_28 {strides = array<i32>} : memref<26x500x256xf32, #tpu.memory_space<vmem>>, vector<26x500x256xf32>,
    } else {
    }
    %ne3A = arith.constant 1 : i32
    %ne3A_10 = arith.cmpi ne, %get3A_2, %ne3A : i32
    %convert_element_type3A_11 = arith.extui %ne3A_10 : i1 to i32
    %cond3A_12 = arith.constant 0 : i32
    %cond3A_13 = arith.cmpi ne, %convert_element_type3A_11, %cond3A_12 : i32
    scf.if %cond3A_13 {
      %scan3A = arith.constant 0 : i32
      %scan3A_14 = arith.constant 26 : i32
      %scan3A_15 = arith.addi %scan3A, %scan3A_14 : i32
      %scan3A_16 = arith.constant 1 : i32
      scf.for %scan3A_18 = %scan3A to %scan3A_15 step %scan3A_16  : i32 {
        %get3A_19 = arith.index_cast %scan3A_18 : i32 to index
        %get3A_20 = arith.constant 0 : index
        %get3A_21 = vector.load %arg3[%get3A_19, %get3A_20] : memref<26x256xi32, #tpu.memory_space<vmem>>, vector<1x256xi32>
        %min3A = arith.constant 0 : i32
        %min3A_22 = vector.broadcast %min3A : i32 to vector<1x256xi32>
        %min3A_23 = arith.minsi %get3A_21, %min3A_22 : vector<1x256xi32>
        %eq3A_24 = vector.broadcast %min3A_23 : vector<1x256xi32> to vector<1000x256xi32>
        %eq3A_25 = arith.cmpi eq, %iota3A, %eq3A_24 : vector<1000x256xi32>
        %convert_element_type3A_26 = arith.extui %eq3A_25 : vector<1000x256xi1> to vector<1000x256xi32>
        %convert_element_type3A_27 = arith.sitofp %convert_element_type3A_26 : vector<1000x256xi32> to vector<1000x256xf32>
        %get3A_28 = arith.constant 0 : index
        %get3A_29 = arith.constant 0 : index
        %get3A_30 = vector.load %arg2[%get3A_28, %get3A_29] : memref<1000x500xf32, #tpu.memory_space<vmem>>, vector<1000x500xf32>
        %dot_general3A = arith.constant dense<0.000000e+00> : vector<500x256xf32>
        %dot_general3A_31 = tpu.matmul %get3A_30, %convert_element_type3A_27, %dot_general3A {dimension_numbers = #tpu.dot_dimension_numbers<[0], [0], [1], [1], [0, 1, 1, 1], [], []>, precision = #tpu.contract_precision<fp32>, transpose_lhs_hint = false} : vector<1000x500xf32>, vector<1000x256xf32>, vector<500x256xf32> -> vector<500x256xf32>
        %broadcast_in_dim3A = vector.shape_cast %dot_general3A_31 : vector<500x256xf32> to vector<1x500x256xf32>
        %swap3A = arith.index_cast %scan3A_18 : i32 to index
        %swap3A_32 = arith.constant 0 : index
        %swap3A_33 = arith.constant 0 : index
        %swap3A_34 = vector.load %arg4[%swap3A, %swap3A_32, %swap3A_33] : memref<26x500x256xf32, #tpu.memory_space<vmem>>, vector<1x500x256xf32>
        tpu.vector_store %arg4[%swap3A, %swap3A_32, %swap3A_33], %broadcast_in_dim3A {strides = array<i32>} : memref<26x500x256xf32, #tpu.memory_space<vmem>>, vector<1x500x256xf32>,
      }
      %scan3A_17 = arith.constant 26 : i32
    } else {
    }
    return
  }
  func.func @transform_0(%arg0: i32, %arg1: memref<512xi32, #tpu.memory_space<smem>>) -> (i32, i32) {
    %c0_i32 = arith.constant 0 : i32
    %c0_i32_0 = arith.constant 0 : i32
    %c0_i32_1 = arith.constant 0 : i32
    return %c0_i32, %c0_i32_0 : i32, i32
  }
  func.func @transform_1(%arg0: i32, %arg1: memref<512xi32, #tpu.memory_space<smem>>) -> (i32, i32) {
    %c0_i32 = arith.constant 0 : i32
    %c0_i32_0 = arith.constant 0 : i32
    return %c0_i32, %arg0 : i32, i32
  }
  func.func @transform_2(%arg0: i32, %arg1: memref<512xi32, #tpu.memory_space<smem>>) -> (i32, i32, i32) {
    %c0_i32 = arith.constant 0 : i32
    %c0_i32_0 = arith.constant 0 : i32
    %c0_i32_1 = arith.constant 0 : i32
    return %c0_i32, %c0_i32_0, %arg0 : i32, i32, i32
  }
}

</mosaic_0001>

<sc_bundles>
// kernel: kernel.4.cloned.1.call-start
scs
__scs_entry_jumppad:
0x0: {  	(pc) =	sbr.rel $0x88, $3  }
0x1: {  	(tag) =	ssettag $0x0;
	lr =	simm.s32 $0x1  }
0x2: {  	[smem:$0x3F9F] =	sst lr;
	_ =	strace $0xD0000000  }
0x3: {  	_ = 	snop  }
0x4: {  	_ = 	snop  }
0x5: {  	_ = 	snop  }
0x6: {  	_ = 	snop  }
0x7: {  	_ = 	snop  }
__scs_overlays_trampoline_lowered:
0x8: {  	[smem:$0x3FAE] =	sst s0  }
0x9: {  	[smem:$0x3FAF] =	sst s1  }
0xa: {  	[smem:$0x3FB0] =	sst s2  }
0xb: {  	[smem:$0x3FB1] =	sst s3  }
0xc: {  	[smem:$0x3FB2] =	sst s4  }
0xd: {  	[smem:$0x3FB3] =	sst s5  }
0xe: {  	[smem:$0x3FB4] =	sst s6  }
0xf: {  	[smem:$0x3FB5] =	sst s7  }
0x10: {  	[smem:$0x3FB6] =	sst s8  }
0x11: {  	[smem:$0x3FB7] =	sst s9;
	s0 =	simm.s32 @!p0 $0x0  }
0x12: {  	s1 =	sld [smem:$0x3F9D];
	s0 =	simm.s32 @p0 $0x1  }
0x13: {  	[smem:$0x3FB8] =	sst s0;
	s0 =	simm.s32 @!p1 $0x0  }
0x14: {  	s2 =	sld [smem:$0x3F9C];
	s0 =	simm.s32 @p1 $0x1  }
0x15: {  	[smem:$0x3FB9] =	sst s0;
	s0 =	simm.s32 @!p2 $0x0  }
0x16: {  	s3 =	sld [smem:$0x3FDB];
	s0 =	simm.s32 @p2 $0x1  }
0x17: {  	s4 =	simm.s32 $0x1BF5;
	[smem:$0x3FBB] =	sst s0  }
0x18: {  	s0 =	sld [smem:$0x3F9E];
	_ =	swait.ge [sflag:s4], $0x0  }
0x19: {  	s7 =	sld [smem:$0x3F9F]  }
0x1a: {  	s8 =	sadd.s32 $0xFFFFE003, lr  }
0x1b: {  	s9 =	sadd.s32 $0xFFFFFEF7, lr;
	s5 =	simm.s32 $0xFFFFFFFF;
	p2 =	slt.u32 s8, $0xFFFFF086  }
0x1c: {  	p1 =	slt.u32 s9, $0xF7A;
	s5 =	simm.s32 @!p2 $0x0  }
0x1d: {  	s5 =	simm.s32 @p1 $0x1;
	p0 =	seq.s32 s7, s2  }
0x1e: {  	s7 =	smul.u32 @!p0 $0xF7A, s2;
	p2 =	seq.s32 @!p0 s5, $0x0  }
0x1f: {  	s9 =	smul.u32 $0xF7A, s1;
	s8 =	simm.s32 @!p0 $0x1BF5;
	p2 =	por !p2, p0  }
0x20: {  	[sflag:s8] =	ssyncset.s32 @!p0 $0xFFFFF086;
	s6 =	sadd.s32 @!p0 s3, s7;
	s7 =	simm.s32 @!p0 $0x108  }
0x21: {  	s3 =	sadd.s32 s3, s9;
	s6 =	sadd.s32 @!p0 $0x88, s6;
	s7 =	simm.s32 @p2 $0x1082  }
0x22: {  	[simem:s7], [sflag:s8] =	dma.local @!p0 [hbm:s6], $0xF7A  }
0x23: {  	s9 =	sor.u32 $0xD0000000, s2;
	s6 =	simm.s32 $0x108;
	_ =	swait.ge @!p0 [sflag:s8], $0x0  }
0x24: {  	s3 =	sadd.s32 $0x88, s3;
	s6 =	simm.s32 @!p1 $0x1082;
	[sflag:s4] =	ssyncset.s32 $0xFFFFF086  }
0x25: {  	[simem:s6], [sflag:s4] =	dma.local [hbm:s3], $0xF7A  }
0x26: {  	[smem:$0x3F9F] =	sst s1;
	(tag) =	ssettag s2;
	_ =	strace s9  }
0x27: {  	s1 =	sld [smem:$0x3FAF]  }
0x28: {  	s2 =	sld [smem:$0x3FB0]  }
0x29: {  	s4 =	sld [smem:$0x3FB2]  }
0x2a: {  	p0 =	seq.s32 s5, $0x0;
	s5 =	sld [smem:$0x3FB3]  }
0x2b: {  	s6 =	sld [smem:$0x3FB4]  }
0x2c: {  	s7 =	sld [smem:$0x3FB5]  }
0x2d: {  	s3 =	simm.s32 $0x108;
	s8 =	sld [smem:$0x3FB6]  }
0x2e: {  	s3 =	simm.s32 @!p0 $0x1082;
	s9 =	sld [smem:$0x3FB7]  }
0x2f: {  	lr =	sadd.s32 s0, s3;
	s0 =	sld [smem:$0x3FAE]  }
0x30: {  	s3 =	sld [smem:$0x3FB1]  }
0x31: {  	[smem:$0x3FBA] =	sst s10  }
0x32: {  	s10 =	sld [smem:$0x3FB8];
	_ =	sdelay $0x3  }
0x33: {  	p0 =	seq.s32 s10, $0x1;
	s10 =	sld [smem:$0x3FBA];
	_ =	sdelay $0x3  }
0x34: {  	[smem:$0x3FBA] =	sst s10  }
0x35: {  	s10 =	sld [smem:$0x3FB9];
	_ =	sdelay $0x3  }
0x36: {  	p1 =	seq.s32 s10, $0x1;
	s10 =	sld [smem:$0x3FBA];
	_ =	sdelay $0x3  }
0x37: {  	[smem:$0x3FBA] =	sst s10  }
0x38: {  	s10 =	sld [smem:$0x3FBB]  }
0x39: {  	_ = 	snop;
	(pc) =	sbr.ind lr, $3  }
0x3a: {  	_ = 	snop  }
0x3b: {  	_ = 	snop  }
0x3c: {  	p2 =	seq.s32 s10, $0x1;
	s10 =	sld [smem:$0x3FBA]  }
0x3d: {  	_ =	shalt  }
0x3e: {  	_ =	shalt  }
0x3f: {  	_ =	shalt  }
0x40: {  	_ =	shalt  }
0x41: {  	_ =	shalt  }
0x42: {  	_ =	shalt  }
0x43: {  	_ =	shalt  }
0x44: {  	_ =	shalt  }
0x45: {  	_ =	shalt  }
0x46: {  	_ =	shalt  }
0x47: {  	_ =	shalt  }
0x48: {  	_ =	shalt  }
0x49: {  	_ =	shalt  }
0x4a: {  	_ =	shalt  }
0x4b: {  	_ =	shalt  }
0x4c: {  	_ =	shalt  }
0x4d: {  	_ =	shalt  }
0x4e: {  	_ =	shalt  }
0x4f: {  	_ =	shalt  }
0x50: {  	_ =	shalt  }
0x51: {  	_ =	shalt  }
0x52: {  	_ =	shalt  }
0x53: {  	_ =	shalt  }
0x54: {  	_ =	shalt  }
0x55: {  	_ =	shalt  }
0x56: {  	_ =	shalt  }
0x57: {  	_ =	shalt  }
0x58: {  	_ =	shalt  }
0x59: {  	_ =	shalt  }
0x5a: {  	_ =	shalt  }
0x5b: {  	_ =	shalt  }
0x5c: {  	_ =	shalt  }
0x5d: {  	_ =	shalt  }
0x5e: {  	_ =	shalt  }
0x5f: {  	_ =	shalt  }
0x60: {  	_ =	shalt  }
0x61: {  	_ =	shalt  }
0x62: {  	_ =	shalt  }
0x63: {  	_ =	shalt  }
0x64: {  	_ =	shalt  }
0x65: {  	_ =	shalt  }
0x66: {  	_ =	shalt  }
0x67: {  	_ =	shalt  }
0x68: {  	_ =	shalt  }
0x69: {  	_ =	shalt  }
0x6a: {  	_ =	shalt  }
0x6b: {  	_ =	shalt  }
0x6c: {  	_ =	shalt  }
0x6d: {  	_ =	shalt  }
0x6e: {  	_ =	shalt  }
0x6f: {  	_ =	shalt  }
0x70: {  	_ =	shalt  }
0x71: {  	_ =	shalt  }
0x72: {  	_ =	shalt  }
0x73: {  	_ =	shalt  }
0x74: {  	_ =	shalt  }
0x75: {  	_ =	shalt  }
0x76: {  	_ =	shalt  }
0x77: {  	_ =	shalt  }
0x78: {  	_ =	shalt  }
0x79: {  	_ =	shalt  }
0x7a: {  	_ =	shalt  }
0x7b: {  	_ =	shalt  }
0x7c: {  	_ =	shalt  }
0x7d: {  	_ =	shalt  }
0x7e: {  	_ =	shalt  }
0x7f: {  	_ =	shalt  }
0x80: {  	_ =	shalt  }
0x81: {  	_ =	shalt  }
0x82: {  	_ =	shalt  }
0x83: {  	_ =	shalt  }
0x84: {  	_ =	shalt  }
0x85: {  	_ =	shalt  }
0x86: {  	_ =	shalt  }
0x87: {  	_ =	shalt  }
.Lfunc_end0:
.L_simem_size_0:
called_computation_lowered:
.L_overlay_start_0:
0x88: {  	s2 =	sld [smem:$0x3FD9]  }
0x89: {  	s3 =	sld [smem:$0x3FFE];
	_ =	sdelay $0x1  }
0x8a: {  	s1 =	srdreg.scid  }
0x8b: {  	s0 =	sand.u32 $0x1, s1  }
0x8c: {  	s17 =	sshll.u32 s0, $0xA;
	s2 =	sadd.s32 s3, s2  }
0x8d: {  	s2 =	sadd.s32 s2, s17  }
0x8e: {  	[smem:$0x3FC6] =	sst s2  }
0x8f: {  	_ = 	snop  }
0x90: {  	s2 =	sld [smem:$0x3FD0];
	(tm) =	ssettm $0x1  }
0x91: {  	s18 =	sld [smem:$0x3FFB];
	_ =	sdelay $0x3  }
0x92: {  	_ =	strace s18  }
0x93: {  	s3 =	sld [smem:$0x3FFC];
	_ =	sdelay $0x3  }
0x94: {  	_ =	strace s3  }
0x95: {  	s3 =	sld [smem:$0x3FFD];
	_ =	sdelay $0x3  }
0x96: {  	_ =	strace s3  }
0x97: {  	_ =	strace $0x8FFFFFFF  }
0x98: {  	s19 =	sld [smem:$0x3FDB];
	_ =	sdelay $0x1  }
0x99: {  	s4 =	simm.s32 $_scs_section_size  }
0x9a: {  	s5 =	simm.s32 $_size__tile_overlayer_lowered;
	s6 =	simm.s32 $_tile_overlayer_lowered  }
0x9b: {  	s22 =	simm.s32 $0x1BFF;
	s21 =	sshll.u32 s6, $0x1;
	s3 =	sadd.s32 s4, s19  }
0x9c: {  	s7 =	simm.s32 $0x0;
	s20 =	sshll.u32 s5, $0x1;
	s5 =	sadd.s32 s21, s3  }
0x9d: {  	[timem:s7], [sflag:s22] =	dma.local [hbm:s5], s20  }
0x9e: {  	_ =	swait.ge [sflag:s22], s20  }
0x9f: {  	s4 =	ssub.s32 $0x0, s20;
	[sflag:s22] =	ssyncset.done $0x0  }
0xa0: {  	[sflag:s22] =	ssyncadd.s32 s4;
	_ =	sdelay $0x1  }
0xa1: {  	s23 =	simm.s32 $0x1B8B  }
0xa2: {  	_ =	swait.ge [sflag:s23], $0x1  }
0xa3: {  	[sflag:s23] =	ssyncset.done $0x0  }
0xa4: {  	s25 =	simm.s32 $0x1B8E;
	s24 =	sld [smem:$0x3FFE];
	[sflag:s23] =	ssyncadd.s32 $0xFFFFFFFF  }
0xa5: {  	s26 =	simm.s32 $execute0_lowered;
	[smem:$0x3FD2] =	sst s25  }
0xa6: {  	s5 =	sshll.u32 s26, $0x1;
	_ =	strace $0x80000046;
	[dreg:$0x1] =	wrdreg $0xFFFFFFFF  }
0xa7: {  	s28 =	simm.s32 $_size_execute0_lowered;
	s3 =	sadd.s32 s3, s5;
	[dreg:$0x0] =	wrdreg $0x0  }
0xa8: {  	s5 =	sshll.u32 s28, $0x1;
	[dreg:$0x2] =	wrdreg s3  }
0xa9: {  	[dreg:$0x3] =	wrdreg s5  }
0xaa: {  	[dreg:$0x4] =	wrdreg $0xC0  }
0xab: {  	_ =	task [dreg:s7], $0x5FFFF  }
0xac: {  	[dreg:$0x1] =	wrdreg $0xFFFFFFFF  }
0xad: {  	[dreg:$0x0] =	wrdreg $0x60  }
0xae: {  	[dreg:$0x2] =	wrdreg s2  }
0xaf: {  	[dreg:$0x3] =	wrdreg s24  }
0xb0: {  	[dreg:$0x4] =	wrdreg $0x9  }
0xb1: {  	_ =	task.clear_ibuf [dreg:s7], $0x5FFFF;
	_ =	strace $0x90000046  }
0xb2: {  	s29 =	simm.s32 $0x9;
	_ =	strace $0x80000048  }
0xb3: {  	_ =	swait.ge [sflag:s29], $0x1  }
0xb4: {  	[sflag:s29] =	ssyncadd.s32 $0xFFFFFFFF  }
0xb5: {  	_ =	strace $0x90000048  }
0xb6: {  	_ =	sfence  }
0xb7: {  	s30 =	sld [smem:$0x0];
	_ =	sdelay $0x2  }
0xb8: {  	s31 =	sshll.u32 s1, $0xD;
	s1 =	sshrl.u32 s1, $0x2  }
0xb9: {  	s3 =	sand.u32 $0x4000, s31;
	s1 =	sadd.s32 s1, s30  }
0xba: {  	s0 =	sor.u32 s3, s0;
	s1 =	sshll.u32 s1, $0x11  }
0xbb: {  	s0 =	sor.u32 s1, s0  }
0xbc: {  	s0 =	sadd.s32 $0x8F2B, s0  }
0xbd: {  	[sflag:s0] =	ssyncadd.remote.s32 $0x1  }
0xbe: {  	_ =	sfence.sel $0xFFFF  }
0xbf: {  	[dreg:$0x0] =	wrdreg $0xFFFFFFFF;
	(pc) =	sbr.abs _section_cstart, $3  }
0xc0: {  	[dreg:$0x1] =	wrdreg $0xFFFFFFFF  }
0xc1: {  	_ =	task.clear_ibuf [dreg:s7], $0x2FFFF;
	_ =	strace $0x9FFFFFFF  }
0xc2: {  	(tm) =	ssettm $0x7FFFFFFF  }
0xc3: {  	_ =	shalt  }
tec
execute0_lowered:
.L_overlay_start_1:
0x0: {  	(tag) =	ssettag $0x1  }
0x1: {  	s4 =	rddreg [dreg:$0x0]  }
0x2: {  	s3 =	rddreg [dreg:$0x1]  }
0x3: {  	s0 =	rddreg [dreg:$0x2]  }
0x4: {  	s2 =	simm.s32 $0x0;
	s5 =	srdreg.scid;
	s1 =	stileid.u32  }
0x5: {  	[smem:$0x7FF] =	sst s2;
	s5 =	sand.u32 $0x1, s5;
	s6 =	sshll.u32 s1, $0x1  }
0x6: {  	_ =	strace $0x80000047;
	s6 =	sor.u32 s5, s6;
	s5 =	ssub.s32 $0x2, s5  }
0x7: {  	s7 =	sshll.u32 s6, $0x1;
	s8 =	sshrl.u32 s5, $0x1;
	s9 =	smul.u32 $0x1A0, s6  }
0x8: {  	s7 =	sadd.s32 s7, s3;
	s8 =	ssub.s32 s5, s8;
	s3 =	sshll.u32 s6, $0x4  }
0x9: {  	s4 =	sadd.s32 s4, s9;
	s5 =	sadd.s32 $0xD00, s3;
	s6 =	sadd.s32 $0xA00, s7  }
0xa: {  	vm0 =	vmmov $0xff;
	s7 =	smax.u32 s8, $0x1;
	s8 =	simm.s32 $0x1;
	s9 =	simm.s32 $0x0  }
.LBB2_1:
0xb: {  	[tilespmem:s2], [sflag:$0x1] =	stream.linear.gather [hbm4b:s4+s2], $0xD00, $0x38;
	[tilespmem:$0xF00] =	vst v63  }
0xc: {  	_ =	swait.ge [sflag:s8], $0xD00  }
0xd: {  	[sflag:s8] =	ssyncset.done $0x0  }
0xe: {  	s10 =	simm.s32 $0x0;
	[sflag:s8] =	ssyncadd.s32 $0xFFFFF300  }
0xf: {  	v0 =	vld [tilespmem:s10+$0x0];
	_ =	sdelay $0x4  }
0x10: {  	v0 =	vxor.u32 $0x80000000, v0  }
0x11: {  	(xrf0) =	vmin.scan.msk.u32 $0xffff, v0;
	_ =	sdelay $0x3  }
0x12: {  	s29 =	simm.s32 $0x10  }
0x13: {  	v1 =	vld [tilespmem:s29+$0x0]  }
0x14: {  	s30 =	simm.s32 $0x20;
	v2, _, _ =	vpop (xrf0)  }
0x15: {  	(v2sf) =	vpush v2, $0xF;
	v2 =	vld [tilespmem:s30+$0x0];
	_ =	sdelay $0x1  }
0x16: {  	(xrf0) =	vmax.scan.msk.u32 $0xffff, v0  }
0x17: {  	v0 =	vxor.u32 $0x80000000, v1  }
0x18: {  	(xrf0) =	vmin.scan.msk.u32 $0xffff, v0  }
0x19: {  	(xrf0) =	vmax.scan.msk.u32 $0xffff, v0;
	v0 =	vxor.u32 $0x80000000, v2  }
0x1a: {  	(xrf0) =	vmin.scan.msk.u32 $0xffff, v0  }
0x1b: {  	(xrf0) =	vmax.scan.msk.u32 $0xffff, v0  }
0x1c: {  	v0, _, _ =	vpop (xrf0)  }
0x1d: {  	(v2sf) =	vpush v0, $0xF  }
0x1e: {  	v2, _, _ =	vpop (xrf0)  }
0x1f: {  	(v2sf) =	vpush v2, $0xF;
	v0, _, _ =	vpop (xrf0)  }
0x20: {  	s31 =	simm.s32 $0x30;
	(v2sf) =	vpush v0, $0xF;
	v0, _, _ =	vpop (xrf0)  }
0x21: {  	v1 =	vld [tilespmem:s31+$0x0];
	(v2sf) =	vpush v0, $0xF;
	v2, _, _ =	vpop (xrf0)  }
0x22: {  	(v2sf) =	vpush v2, $0xF;
	_ =	sdelay $0x3  }
0x23: {  	s12 =	simm.s32 $0x40;
	v1 =	vxor.u32 $0x80000000, v1  }
0x24: {  	(xrf0) =	vmin.scan.msk.u32 $0xffff, v1;
	v0 =	vld [tilespmem:s12+$0x0]  }
0x25: {  	(xrf0) =	vmax.scan.msk.u32 $0xffff, v1  }
0x26: {  	s11 =	simm.s32 $0x80000000  }
0x27: {  	s10 =	simm.s32 $0x7FFFFFFF;
	s12 =	simm.s32 $0x140;
	s13 =	spop (v2sf)  }
.LBB2_2:
0x28: {  	s14 =	smov.u32 s11;
	s15 =	smov.u32 s10;
	s11 =	sshra.s32 s12, $0x2  }
0x29: {  	v3 =	vxor.u32 $0x80000000, v0;
	s10 =	sxor.u32 $0x80000000, s13;
	p0 =	sne.s32 s12, $0x33C0;
	s13 =	spop (v2sf)  }
.Ltmp0:
0x2a: {  	s12 =	sadd.s32 $0x40, s12;
	v0 =	vld [tilespmem:s11+$0x0];
	(xrf0) =	vmin.scan.msk.u32 $0xffff, v3;
	v2, _, _ =	vpop (xrf0);
	s11 =	sxor.u32 $0x80000000, s13;
	(pc) =	sbr.rel @p0 .LBB2_2-.Ltmp0, $3  }
0x2b: {  	p1 =	slt.s32 s15, s10;
	(xrf0) =	vmax.scan.msk.u32 $0xffff, v3;
	(v2sf) =	vpush v2, $0xF;
	v1, _, _ =	vpop (xrf0);
	p2 =	sgt.s32 s14, s11  }
0x2c: {  	s10 =	smov.u32 @p1 s15;
	(v2sf) =	vpush v1, $0xF;
	s11 =	smov.u32 @p2 s14;
	_ =	sdelay $0x1  }
0x2d: {  	s13 =	spop (v2sf)  }
0x2e: {  	v0 =	vxor.u32 $0x80000000, v0  }
0x2f: {  	(xrf0) =	vmin.scan.msk.u32 $0xffff, v0  }
0x30: {  	(xrf0) =	vmax.scan.msk.u32 $0xffff, v0;
	_ =	sdelay $0x2  }
0x31: {  	v59, _, _ =	vpop (xrf0)  }
0x32: {  	(v2sf) =	vpush v59, $0xF;
	v60, _, _ =	vpop (xrf0)  }
0x33: {  	(v2sf) =	vpush v60, $0xF;
	v61, _, _ =	vpop (xrf0)  }
0x34: {  	(v2sf) =	vpush v61, $0xF;
	v62, _, _ =	vpop (xrf0)  }
0x35: {  	(v2sf) =	vpush v62, $0xF;
	_ =	sdelay $0x4  }
0x36: {  	s12 =	spop (v2sf);
	s13 =	sxor.u32 $0x80000000, s13  }
0x37: {  	s14 =	spop (v2sf);
	s12 =	sxor.u32 $0x80000000, s12;
	p0 =	slt.s32 s10, s13  }
0x38: {  	s13 =	smov.u32 @p0 s10;
	s24 =	spop (v2sf);
	p0 =	sgt.s32 s11, s12  }
0x39: {  	s12 =	smov.u32 @p0 s11;
	s11 =	sxor.u32 $0x80000000, s14;
	s10 =	sxor.u32 $0x80000000, s24  }
0x3a: {  	p0 =	slt.s32 s13, s11;
	p1 =	sgt.s32 s12, s10;
	s25 =	spop (v2sf)  }
0x3b: {  	s11 =	smov.u32 @p0 s13;
	s13 =	sxor.u32 $0x80000000, s25;
	s26 =	spop (v2sf)  }
0x3c: {  	s10 =	smov.u32 @p1 s12;
	s12 =	sxor.u32 $0x80000000, s26;
	p0 =	slt.s32 s11, s13  }
0x3d: {  	p1 =	sgt.s32 s10, s12;
	s13 =	smov.u32 @p0 s11;
	s28 =	spop (v2sf)  }
0x3e: {  	s12 =	smov.u32 @p1 s10;
	s10 =	sxor.u32 $0x80000000, s28;
	s29 =	spop (v2sf)  }
0x3f: {  	s11 =	sxor.u32 $0x80000000, s29;
	p0 =	slt.s32 s13, s10;
	s30 =	spop (v2sf)  }
0x40: {  	p1 =	sgt.s32 s12, s11;
	s10 =	smov.u32 @p0 s13;
	s31 =	spop (v2sf)  }
0x41: {  	s11 =	smov.u32 @p1 s12;
	s12 =	sxor.u32 $0x80000000, s30;
	s13 =	sxor.u32 $0x80000000, s31  }
0x42: {  	p0 =	slt.s32 s10, s12;
	p1 =	sgt.s32 s11, s13  }
0x43: {  	s12 =	smov.u32 @p0 s10;
	s13 =	smov.u32 @p1 s11  }
0x44: {  	s10 =	sshra.s32 s12, $0x1F;
	s11 =	sshra.s32 s13, $0x1F  }
0x45: {  	s10 =	sand.u32 s10, s12;
	s11 =	sand.u32 s11, s13  }
0x46: {  	p0 =	seq.s32 s10, s11;
	s11 =	simm.s32 $0x1  }
0x47: {  	s9 =	sadd.s32 $0x1, s9;
	v63 =	vmov s10;
	s11 =	simm.s32 @!p0 $0x0  }
0x48: {  	p0 =	sne.s32 s9, s7;
	v0 =	vsel vm0, s11, v63  }
.Ltmp1:
0x49: {  	[tilespmem:s3+$0xD00] =	vst v0;
	(pc) =	sbr.rel @p0 .LBB2_1-.Ltmp1, $4  }
0x4a: {  	[hbm4b:s6+s2] =	stream.linear.scatter [tilespmem:s5], [sflag:$0x1], $0x10, $0x38;
	[tilespmem:$0xF00] =	vst v63  }
0x4b: {  	_ =	swait.ge [sflag:s8], $0x10  }
0x4c: {  	[sflag:s8] =	ssyncset.done $0x0  }
0x4d: {  	[sflag:s8] =	ssyncadd.s32 $0xFFFFFFF0  }
0x4e: {  	_ =	sfence.sel $0x180000  }
0x4f: {  	[bflag:$0x0] =	sbarrier.arrive $0xFFFF  }
0x50: {  	p0 =	sne.s32 s1, $0x0;
	_ =	strace $0x90000047  }
0x51: {  	s0 =	sadd.s32 @!p0 $0x100000, s0;
	[bflag:$0x2] =	sbarrier.arrive $0xFFFF  }
0x52: {  	[sflag:s0] =	ssyncadd.tile.s32 @!p0 $0x1;
	_ =	shalt  }
.Lfunc_end2:
_tile_overlayer_lowered:
.L_overlay_start_2:
0x53: {  	(tag) =	ssettag $0x2  }
0x54: {  	s0 =	rddreg [dreg:$0x0];
	s2 =	stileid.u32  }
0x55: {  	s1 =	rddreg [dreg:$0x1];
	p0 =	sne.s32 s2, $0x0  }
0x56: {  	s3 =	rddreg [dreg:$0x2];
	[bflag:$0x3] =	sbarrier.arrive $0xFFFF;
	s2 =	simm.s32 @!p0 $0x1C01  }
0x57: {  	[timem:s3], [sflag:s2] =	dma.local @!p0 [hbm:s0], s1  }
0x58: {  	s0 =	simm.s32 @!p0 $0x1  }
0x59: {  	_ =	swait.ge @!p0 [sflag:s0], s1  }
0x5a: {  	s1 =	ssub.s32 @!p0 $0x0, s1;
	[sflag:s0] =	ssyncset.done @!p0 $0x0  }
0x5b: {  	[sflag:s0] =	ssyncadd.s32 @!p0 s1  }
0x5c: {  	[bflag:$0x3] =	sbarrier.arrive $0xFFFF  }
0x5d: {  	_ =	shalt  }

</sc_bundles>
